<compile_context>
chip_gen: v7x
topology: tpu7x:2x2x1
jax: 0.10.2.dev20260603
libtpu: 0.0.44.dev20260713+nightly
codegen_flags: <defaults>
</compile_context>

<pallas_src>
import functools

import jax
import jax.numpy as jnp
from jax import lax
from jax.experimental import pallas as pl
from jax.experimental.pallas import tpu as pltpu
from jax.experimental.pallas import tpu_sc as plsc

_NC = 2
_NS = 16
_NW = _NC * _NS
_L = 16

_R = 16384
_D = 100
_RW = _R // _NW
_CR = 256
_NCH = _RW // _CR
_OFFS = (0, 16, 32, 48, 64, 80, 84)

_DNUMS = lax.GatherDimensionNumbers(
    offset_dims=(), collapsed_slice_dims=(0,), start_index_map=(0,))


def _body(x_hbm, tab_hbm, out_hbm, x_v, out_v, tab_v):
    wid = lax.axis_index("s") * _NC + lax.axis_index("c")
    base = wid * _RW
    pltpu.sync_copy(tab_hbm, tab_v)
    v = tab_v[...]
    t = 1.0 - 2.0 / (jnp.exp(2.0 * v) + 1.0)

    def chunk(c, carry):
        row0 = base + c * _CR
        pltpu.sync_copy(x_hbm.at[pl.ds(row0, _CR), :], x_v)

        @plsc.parallel_loop(0, _CR, 1, unroll=4)
        def row(r):
            for o in _OFFS:
                idx = x_v[r, pl.ds(o, _L)]
                out_v[r, pl.ds(o, _L)] = lax.gather(
                    t, idx[:, None], _DNUMS, (1,),
                    mode=lax.GatherScatterMode.PROMISE_IN_BOUNDS)

        pltpu.sync_copy(out_v, out_hbm.at[pl.ds(row0, _CR)])
        return carry

    lax.fori_loop(0, _NCH, chunk, 0)


_sc_call = pl.kernel(
    _body,
    mesh=plsc.VectorSubcoreMesh(core_axis_name="c", subcore_axis_name="s"),
    out_type=jax.ShapeDtypeStruct((_R, _D), jnp.float32),
    scratch_types=[
        pltpu.VMEM((_CR, _D), jnp.int32),
        pltpu.VMEM((_CR, _D), jnp.float32),
        pltpu.VMEM((_L,), jnp.float32),
    ],
)


def kernel(x, data_bias):
    tab = jnp.zeros((_L,), jnp.float32).at[:3].set(data_bias.reshape(-1))
    return _sc_call(x.astype(jnp.int32), tab)

# --- scband reference (transcript-rebuilt; emitter-appended) ---
"""Pipeline reference for scband-imputation-network-39960375722817 (READ-ONLY COPY).

The authoritative reference and input builder live on the scoring server;
editing this copy changes nothing except your own understanding.
"""

import jax, jax.numpy as jnp
import numpy as np

def setup_inputs(seed: int = 0) -> dict:
    key = jax.random.key(seed)
    k1, k2 = jax.random.split(key)
    x = jax.random.randint(k1, (16384, 100), 0, 3, dtype=jnp.int64)
    data_bias = jax.random.normal(k2, (3, 1), dtype=jnp.float32)
    return {"x": x, "data_bias": data_bias}

def reference(x, data_bias):
    # nn.Embedding lookup: table[idx] -> [16384, 100, 1]
    output = jnp.take(data_bias, x, axis=0)
    return jnp.tanh(output)

if __name__ == "__main__":
    import jax
    _d = setup_inputs()
    print(jax.jit(kernel)(*tuple(_d.values())))

</pallas_src>

<mosaic_0001>
#map = affine_map<(d0, d1) -> (0, 0)>
#map1 = affine_map<(d0, d1) -> (0)>
module attributes {stable_mosaic.version = 14 : i64} {
  func.func @_body(%arg0: i32, %arg1: i32, %arg2: memref<16384x100xi32, #tpu.memory_space<hbm>>, %arg3: memref<16xf32, #tpu.memory_space<hbm>>, %arg4: memref<16384x100xf32, #tpu.memory_space<hbm>>, %arg5: memref<256x100xi32, #tpu.memory_space<vmem>>, %arg6: memref<256x100xf32, #tpu.memory_space<vmem>>, %arg7: memref<16xf32, #tpu.memory_space<vmem>>) attributes {dimension_semantics = [#tpu.dimension_semantics<core_parallel>, #tpu.dimension_semantics<subcore_parallel>], iteration_bounds = array<i64: 2, 16>, scalar_prefetch = 0 : i64, scratch_operands = 3 : i64, tpu.core_type = #tpu.core_type<sc_vector_subcore>, window_params = [{transform_indices = #map}, {transform_indices = #map1}, {transform_indices = #map}]} {
    %mul3A = arith.constant 2 : i32
    %mul3A_0 = arith.muli %arg1, %mul3A : i32
    %add3A = arith.addi %mul3A_0, %arg0 : i32
    %mul3A_1 = arith.constant 512 : i32
    %mul3A_2 = arith.muli %add3A, %mul3A_1 : i32
    "tpu.region"() ({
      %run_scoped3A = tpu.sem_alloc : memref<!tpu.dma_semaphore, #tpu.memory_space<semaphore_mem>>
      tpu.enqueue_dma source(%arg3 : memref<16xf32, #tpu.memory_space<hbm>>) target(%arg7 : memref<16xf32, #tpu.memory_space<vmem>>) target_semaphore(%run_scoped3A : memref<!tpu.dma_semaphore, #tpu.memory_space<semaphore_mem>>)
      tpu.wait_dma2 semaphore(%run_scoped3A : memref<!tpu.dma_semaphore, #tpu.memory_space<semaphore_mem>>) src(%arg3 : memref<16xf32, #tpu.memory_space<hbm>>) dst(%arg7 : memref<16xf32, #tpu.memory_space<vmem>>)
      tpu.yield
    }) : () -> ()
    %get3A = arith.constant 0 : index
    %get3A_3 = tpu.vector_load %arg7[%get3A] {strides = array<i32>} : memref<16xf32, #tpu.memory_space<vmem>>, vector<16xf32>,
    %get3A_4 = vector.shape_cast %get3A_3 : vector<16xf32> to vector<16xf32>
    %mul3A_5 = arith.constant 2.000000e+00 : f32
    %mul3A_6 = vector.broadcast %mul3A_5 : f32 to vector<16xf32>
    %mul3A_7 = arith.mulf %mul3A_6, %get3A_4 : vector<16xf32>
    %exp3A = math.exp %mul3A_7 : vector<16xf32>
    %add3A_8 = arith.constant 1.000000e+00 : f32
    %add3A_9 = vector.broadcast %add3A_8 : f32 to vector<16xf32>
    %add3A_10 = arith.addf %exp3A, %add3A_9 : vector<16xf32>
    %div3A = arith.constant 2.000000e+00 : f32
    %div3A_11 = vector.broadcast %div3A : f32 to vector<16xf32>
    %div3A_12 = arith.divf %div3A_11, %add3A_10 : vector<16xf32>
    %sub3A = arith.constant 1.000000e+00 : f32
    %sub3A_13 = vector.broadcast %sub3A : f32 to vector<16xf32>
    %sub3A_14 = arith.subf %sub3A_13, %div3A_12 : vector<16xf32>
    %scan3A = arith.constant 0 : i32
    %scan3A_15 = arith.constant 0 : i32
    %scan3A_16 = arith.constant 2 : i32
    %scan3A_17 = arith.addi %scan3A_15, %scan3A_16 : i32
    %scan3A_18 = arith.constant 1 : i32
    scf.for %scan3A_20 = %scan3A_15 to %scan3A_17 step %scan3A_18  : i32 {
      %mul3A_21 = arith.constant 256 : i32
      %mul3A_22 = arith.muli %scan3A_20, %mul3A_21 : i32
      %add3A_23 = arith.addi %mul3A_2, %mul3A_22 : i32
      "tpu.region"() ({
        %run_scoped3A = tpu.sem_alloc : memref<!tpu.dma_semaphore, #tpu.memory_space<semaphore_mem>>
        %dma_start3A = arith.constant 0 : i32
        %dma_start3A_26 = tpu.memref_slice %arg2[%add3A_23, %dma_start3A] : memref<16384x100xi32, #tpu.memory_space<hbm>> -> memref<256x100xi32, #tpu.memory_space<hbm>>
        %dma_start3A_27 = arith.constant 0 : i32
        %dma_start3A_28 = tpu.memref_slice %arg2[%add3A_23, %dma_start3A_27] : memref<16384x100xi32, #tpu.memory_space<hbm>> -> memref<256x100xi32, #tpu.memory_space<hbm>>
        tpu.enqueue_dma source(%dma_start3A_28 : memref<256x100xi32, #tpu.memory_space<hbm>>) target(%arg5 : memref<256x100xi32, #tpu.memory_space<vmem>>) target_semaphore(%run_scoped3A : memref<!tpu.dma_semaphore, #tpu.memory_space<semaphore_mem>>)
        %dma_wait3A = arith.constant 0 : i32
        %dma_wait3A_29 = tpu.memref_slice %arg2[%add3A_23, %dma_wait3A] : memref<16384x100xi32, #tpu.memory_space<hbm>> -> memref<256x100xi32, #tpu.memory_space<hbm>>
        %dma_wait3A_30 = arith.constant 0 : i32
        %dma_wait3A_31 = tpu.memref_slice %arg2[%add3A_23, %dma_wait3A_30] : memref<16384x100xi32, #tpu.memory_space<hbm>> -> memref<256x100xi32, #tpu.memory_space<hbm>>
        tpu.wait_dma2 semaphore(%run_scoped3A : memref<!tpu.dma_semaphore, #tpu.memory_space<semaphore_mem>>) src(%dma_wait3A_31 : memref<256x100xi32, #tpu.memory_space<hbm>>) dst(%arg5 : memref<256x100xi32, #tpu.memory_space<vmem>>)
        tpu.yield
      }) : () -> ()
      %parallel_loop3A = arith.constant 0 : i32
      %parallel_loop3A_24 = arith.constant 256 : i32
      %parallel_loop3A_25 = arith.constant 1 : i32
      scf.for %parallel_loop3A_26 = %parallel_loop3A to %parallel_loop3A_24 step %parallel_loop3A_25  : i32 {
        %parallel_loop3A_27 = arith.index_cast %parallel_loop3A_26 : i32 to index
        %parallel_loop3A_28 = arith.constant 0 : index
        %parallel_loop3A_29 = tpu.vector_load %arg5[%parallel_loop3A_27, %parallel_loop3A_28] {strides = array<i32>} : memref<256x100xi32, #tpu.memory_space<vmem>>, vector<1x16xi32>,
        %parallel_loop3A_30 = vector.shape_cast %parallel_loop3A_29 : vector<1x16xi32> to vector<16xi32>
        %parallel_loop3A_31 = vector.shape_cast %parallel_loop3A_30 : vector<16xi32> to vector<16x1xi32>
        %parallel_loop3A_32 = vector.shape_cast %parallel_loop3A_31 : vector<16x1xi32> to vector<16xi32>
        %parallel_loop3A_33 = tpu.dynamic_gather %sub3A_14[%parallel_loop3A_32] in [0] : vector<16xf32>, vector<16xi32> -> vector<16xf32>
        %parallel_loop3A_34 = arith.index_cast %parallel_loop3A_26 : i32 to index
        %parallel_loop3A_35 = arith.constant 0 : index
        %parallel_loop3A_36 = tpu.vector_load %arg6[%parallel_loop3A_34, %parallel_loop3A_35] {strides = array<i32>} : memref<256x100xf32, #tpu.memory_space<vmem>>, vector<1x16xf32>,
        %parallel_loop3A_37 = vector.shape_cast %parallel_loop3A_36 : vector<1x16xf32> to vector<16xf32>
        %parallel_loop3A_38 = vector.shape_cast %parallel_loop3A_33 : vector<16xf32> to vector<1x16xf32>
        tpu.vector_store %arg6[%parallel_loop3A_34, %parallel_loop3A_35], %parallel_loop3A_38 {strides = array<i32>} : memref<256x100xf32, #tpu.memory_space<vmem>>, vector<1x16xf32>,
        %parallel_loop3A_39 = arith.index_cast %parallel_loop3A_26 : i32 to index
        %parallel_loop3A_40 = arith.constant 16 : index
        %parallel_loop3A_41 = tpu.vector_load %arg5[%parallel_loop3A_39, %parallel_loop3A_40] {strides = array<i32>} : memref<256x100xi32, #tpu.memory_space<vmem>>, vector<1x16xi32>,
        %parallel_loop3A_42 = vector.shape_cast %parallel_loop3A_41 : vector<1x16xi32> to vector<16xi32>
        %parallel_loop3A_43 = vector.shape_cast %parallel_loop3A_42 : vector<16xi32> to vector<16x1xi32>
        %parallel_loop3A_44 = vector.shape_cast %parallel_loop3A_43 : vector<16x1xi32> to vector<16xi32>
        %parallel_loop3A_45 = tpu.dynamic_gather %sub3A_14[%parallel_loop3A_44] in [0] : vector<16xf32>, vector<16xi32> -> vector<16xf32>
        %parallel_loop3A_46 = arith.index_cast %parallel_loop3A_26 : i32 to index
        %parallel_loop3A_47 = arith.constant 16 : index
        %parallel_loop3A_48 = tpu.vector_load %arg6[%parallel_loop3A_46, %parallel_loop3A_47] {strides = array<i32>} : memref<256x100xf32, #tpu.memory_space<vmem>>, vector<1x16xf32>,
        %parallel_loop3A_49 = vector.shape_cast %parallel_loop3A_48 : vector<1x16xf32> to vector<16xf32>
        %parallel_loop3A_50 = vector.shape_cast %parallel_loop3A_45 : vector<16xf32> to vector<1x16xf32>
        tpu.vector_store %arg6[%parallel_loop3A_46, %parallel_loop3A_47], %parallel_loop3A_50 {strides = array<i32>} : memref<256x100xf32, #tpu.memory_space<vmem>>, vector<1x16xf32>,
        %parallel_loop3A_51 = arith.index_cast %parallel_loop3A_26 : i32 to index
        %parallel_loop3A_52 = arith.constant 32 : index
        %parallel_loop3A_53 = tpu.vector_load %arg5[%parallel_loop3A_51, %parallel_loop3A_52] {strides = array<i32>} : memref<256x100xi32, #tpu.memory_space<vmem>>, vector<1x16xi32>,
        %parallel_loop3A_54 = vector.shape_cast %parallel_loop3A_53 : vector<1x16xi32> to vector<16xi32>
        %parallel_loop3A_55 = vector.shape_cast %parallel_loop3A_54 : vector<16xi32> to vector<16x1xi32>
        %parallel_loop3A_56 = vector.shape_cast %parallel_loop3A_55 : vector<16x1xi32> to vector<16xi32>
        %parallel_loop3A_57 = tpu.dynamic_gather %sub3A_14[%parallel_loop3A_56] in [0] : vector<16xf32>, vector<16xi32> -> vector<16xf32>
        %parallel_loop3A_58 = arith.index_cast %parallel_loop3A_26 : i32 to index
        %parallel_loop3A_59 = arith.constant 32 : index
        %parallel_loop3A_60 = tpu.vector_load %arg6[%parallel_loop3A_58, %parallel_loop3A_59] {strides = array<i32>} : memref<256x100xf32, #tpu.memory_space<vmem>>, vector<1x16xf32>,
        %parallel_loop3A_61 = vector.shape_cast %parallel_loop3A_60 : vector<1x16xf32> to vector<16xf32>
        %parallel_loop3A_62 = vector.shape_cast %parallel_loop3A_57 : vector<16xf32> to vector<1x16xf32>
        tpu.vector_store %arg6[%parallel_loop3A_58, %parallel_loop3A_59], %parallel_loop3A_62 {strides = array<i32>} : memref<256x100xf32, #tpu.memory_space<vmem>>, vector<1x16xf32>,
        %parallel_loop3A_63 = arith.index_cast %parallel_loop3A_26 : i32 to index
        %parallel_loop3A_64 = arith.constant 48 : index
        %parallel_loop3A_65 = tpu.vector_load %arg5[%parallel_loop3A_63, %parallel_loop3A_64] {strides = array<i32>} : memref<256x100xi32, #tpu.memory_space<vmem>>, vector<1x16xi32>,
        %parallel_loop3A_66 = vector.shape_cast %parallel_loop3A_65 : vector<1x16xi32> to vector<16xi32>
        %parallel_loop3A_67 = vector.shape_cast %parallel_loop3A_66 : vector<16xi32> to vector<16x1xi32>
        %parallel_loop3A_68 = vector.shape_cast %parallel_loop3A_67 : vector<16x1xi32> to vector<16xi32>
        %parallel_loop3A_69 = tpu.dynamic_gather %sub3A_14[%parallel_loop3A_68] in [0] : vector<16xf32>, vector<16xi32> -> vector<16xf32>
        %parallel_loop3A_70 = arith.index_cast %parallel_loop3A_26 : i32 to index
        %parallel_loop3A_71 = arith.constant 48 : index
        %parallel_loop3A_72 = tpu.vector_load %arg6[%parallel_loop3A_70, %parallel_loop3A_71] {strides = array<i32>} : memref<256x100xf32, #tpu.memory_space<vmem>>, vector<1x16xf32>,
        %parallel_loop3A_73 = vector.shape_cast %parallel_loop3A_72 : vector<1x16xf32> to vector<16xf32>
        %parallel_loop3A_74 = vector.shape_cast %parallel_loop3A_69 : vector<16xf32> to vector<1x16xf32>
        tpu.vector_store %arg6[%parallel_loop3A_70, %parallel_loop3A_71], %parallel_loop3A_74 {strides = array<i32>} : memref<256x100xf32, #tpu.memory_space<vmem>>, vector<1x16xf32>,
        %parallel_loop3A_75 = arith.index_cast %parallel_loop3A_26 : i32 to index
        %parallel_loop3A_76 = arith.constant 64 : index
        %parallel_loop3A_77 = tpu.vector_load %arg5[%parallel_loop3A_75, %parallel_loop3A_76] {strides = array<i32>} : memref<256x100xi32, #tpu.memory_space<vmem>>, vector<1x16xi32>,
        %parallel_loop3A_78 = vector.shape_cast %parallel_loop3A_77 : vector<1x16xi32> to vector<16xi32>
        %parallel_loop3A_79 = vector.shape_cast %parallel_loop3A_78 : vector<16xi32> to vector<16x1xi32>
        %parallel_loop3A_80 = vector.shape_cast %parallel_loop3A_79 : vector<16x1xi32> to vector<16xi32>
        %parallel_loop3A_81 = tpu.dynamic_gather %sub3A_14[%parallel_loop3A_80] in [0] : vector<16xf32>, vector<16xi32> -> vector<16xf32>
        %parallel_loop3A_82 = arith.index_cast %parallel_loop3A_26 : i32 to index
        %parallel_loop3A_83 = arith.constant 64 : index
        %parallel_loop3A_84 = tpu.vector_load %arg6[%parallel_loop3A_82, %parallel_loop3A_83] {strides = array<i32>} : memref<256x100xf32, #tpu.memory_space<vmem>>, vector<1x16xf32>,
        %parallel_loop3A_85 = vector.shape_cast %parallel_loop3A_84 : vector<1x16xf32> to vector<16xf32>
        %parallel_loop3A_86 = vector.shape_cast %parallel_loop3A_81 : vector<16xf32> to vector<1x16xf32>
        tpu.vector_store %arg6[%parallel_loop3A_82, %parallel_loop3A_83], %parallel_loop3A_86 {strides = array<i32>} : memref<256x100xf32, #tpu.memory_space<vmem>>, vector<1x16xf32>,
        %parallel_loop3A_87 = arith.index_cast %parallel_loop3A_26 : i32 to index
        %parallel_loop3A_88 = arith.constant 80 : index
        %parallel_loop3A_89 = tpu.vector_load %arg5[%parallel_loop3A_87, %parallel_loop3A_88] {strides = array<i32>} : memref<256x100xi32, #tpu.memory_space<vmem>>, vector<1x16xi32>,
        %parallel_loop3A_90 = vector.shape_cast %parallel_loop3A_89 : vector<1x16xi32> to vector<16xi32>
        %parallel_loop3A_91 = vector.shape_cast %parallel_loop3A_90 : vector<16xi32> to vector<16x1xi32>
        %parallel_loop3A_92 = vector.shape_cast %parallel_loop3A_91 : vector<16x1xi32> to vector<16xi32>
        %parallel_loop3A_93 = tpu.dynamic_gather %sub3A_14[%parallel_loop3A_92] in [0] : vector<16xf32>, vector<16xi32> -> vector<16xf32>
        %parallel_loop3A_94 = arith.index_cast %parallel_loop3A_26 : i32 to index
        %parallel_loop3A_95 = arith.constant 80 : index
        %parallel_loop3A_96 = tpu.vector_load %arg6[%parallel_loop3A_94, %parallel_loop3A_95] {strides = array<i32>} : memref<256x100xf32, #tpu.memory_space<vmem>>, vector<1x16xf32>,
        %parallel_loop3A_97 = vector.shape_cast %parallel_loop3A_96 : vector<1x16xf32> to vector<16xf32>
        %parallel_loop3A_98 = vector.shape_cast %parallel_loop3A_93 : vector<16xf32> to vector<1x16xf32>
        tpu.vector_store %arg6[%parallel_loop3A_94, %parallel_loop3A_95], %parallel_loop3A_98 {strides = array<i32>} : memref<256x100xf32, #tpu.memory_space<vmem>>, vector<1x16xf32>,
        %parallel_loop3A_99 = arith.index_cast %parallel_loop3A_26 : i32 to index
        %parallel_loop3A_100 = arith.constant 84 : index
        %parallel_loop3A_101 = tpu.vector_load %arg5[%parallel_loop3A_99, %parallel_loop3A_100] {strides = array<i32>} : memref<256x100xi32, #tpu.memory_space<vmem>>, vector<1x16xi32>,
        %parallel_loop3A_102 = vector.shape_cast %parallel_loop3A_101 : vector<1x16xi32> to vector<16xi32>
        %parallel_loop3A_103 = vector.shape_cast %parallel_loop3A_102 : vector<16xi32> to vector<16x1xi32>
        %parallel_loop3A_104 = vector.shape_cast %parallel_loop3A_103 : vector<16x1xi32> to vector<16xi32>
        %parallel_loop3A_105 = tpu.dynamic_gather %sub3A_14[%parallel_loop3A_104] in [0] : vector<16xf32>, vector<16xi32> -> vector<16xf32>
        %parallel_loop3A_106 = arith.index_cast %parallel_loop3A_26 : i32 to index
        %parallel_loop3A_107 = arith.constant 84 : index
        %parallel_loop3A_108 = tpu.vector_load %arg6[%parallel_loop3A_106, %parallel_loop3A_107] {strides = array<i32>} : memref<256x100xf32, #tpu.memory_space<vmem>>, vector<1x16xf32>,
        %parallel_loop3A_109 = vector.shape_cast %parallel_loop3A_108 : vector<1x16xf32> to vector<16xf32>
        %parallel_loop3A_110 = vector.shape_cast %parallel_loop3A_105 : vector<16xf32> to vector<1x16xf32>
        tpu.vector_store %arg6[%parallel_loop3A_106, %parallel_loop3A_107], %parallel_loop3A_110 {strides = array<i32>} : memref<256x100xf32, #tpu.memory_space<vmem>>, vector<1x16xf32>,
      } {sc.loop_unroll_factor = 4 : i64, sc.parallel_access}
      "tpu.region"() ({
        %run_scoped3A = tpu.sem_alloc : memref<!tpu.dma_semaphore, #tpu.memory_space<semaphore_mem>>
        %dma_start3A = arith.constant 0 : i32
        %dma_start3A_26 = tpu.memref_slice %arg4[%add3A_23, %dma_start3A] : memref<16384x100xf32, #tpu.memory_space<hbm>> -> memref<256x100xf32, #tpu.memory_space<hbm>>
        %dma_start3A_27 = arith.constant 0 : i32
        %dma_start3A_28 = tpu.memref_slice %arg4[%add3A_23, %dma_start3A_27] : memref<16384x100xf32, #tpu.memory_space<hbm>> -> memref<256x100xf32, #tpu.memory_space<hbm>>
        tpu.enqueue_dma source(%arg6 : memref<256x100xf32, #tpu.memory_space<vmem>>) target(%dma_start3A_28 : memref<256x100xf32, #tpu.memory_space<hbm>>) target_semaphore(%run_scoped3A : memref<!tpu.dma_semaphore, #tpu.memory_space<semaphore_mem>>)
        %dma_wait3A = arith.constant 0 : i32
        %dma_wait3A_29 = tpu.memref_slice %arg4[%add3A_23, %dma_wait3A] : memref<16384x100xf32, #tpu.memory_space<hbm>> -> memref<256x100xf32, #tpu.memory_space<hbm>>
        %dma_wait3A_30 = arith.constant 0 : i32
        %dma_wait3A_31 = tpu.memref_slice %arg4[%add3A_23, %dma_wait3A_30] : memref<16384x100xf32, #tpu.memory_space<hbm>> -> memref<256x100xf32, #tpu.memory_space<hbm>>
        tpu.wait_dma2 semaphore(%run_scoped3A : memref<!tpu.dma_semaphore, #tpu.memory_space<semaphore_mem>>) src(%arg6 : memref<256x100xf32, #tpu.memory_space<vmem>>) dst(%dma_wait3A_31 : memref<256x100xf32, #tpu.memory_space<hbm>>)
        tpu.yield
      }) : () -> ()
    }
    %scan3A_19 = arith.constant 2 : i32
    return
  }
}

</mosaic_0001>

<sc_bundles>
// kernel: kernel.3.cloned.1.call-start
scs
__scs_entry_jumppad:
0x0: {  	(pc) =	sbr.rel $0x88, $3  }
0x1: {  	(tag) =	ssettag $0x0;
	lr =	simm.s32 $0x1  }
0x2: {  	[smem:$0x3F9F] =	sst lr;
	_ =	strace $0xD0000000  }
0x3: {  	_ = 	snop  }
0x4: {  	_ = 	snop  }
0x5: {  	_ = 	snop  }
0x6: {  	_ = 	snop  }
0x7: {  	_ = 	snop  }
__scs_overlays_trampoline_lowered:
0x8: {  	[smem:$0x3FAE] =	sst s0  }
0x9: {  	[smem:$0x3FAF] =	sst s1  }
0xa: {  	[smem:$0x3FB0] =	sst s2  }
0xb: {  	[smem:$0x3FB1] =	sst s3  }
0xc: {  	[smem:$0x3FB2] =	sst s4  }
0xd: {  	[smem:$0x3FB3] =	sst s5  }
0xe: {  	[smem:$0x3FB4] =	sst s6  }
0xf: {  	[smem:$0x3FB5] =	sst s7  }
0x10: {  	[smem:$0x3FB6] =	sst s8  }
0x11: {  	[smem:$0x3FB7] =	sst s9;
	s0 =	simm.s32 @!p0 $0x0  }
0x12: {  	s1 =	sld [smem:$0x3F9D];
	s0 =	simm.s32 @p0 $0x1  }
0x13: {  	[smem:$0x3FB8] =	sst s0;
	s0 =	simm.s32 @!p1 $0x0  }
0x14: {  	s2 =	sld [smem:$0x3F9C];
	s0 =	simm.s32 @p1 $0x1  }
0x15: {  	[smem:$0x3FB9] =	sst s0;
	s0 =	simm.s32 @!p2 $0x0  }
0x16: {  	s3 =	sld [smem:$0x3FDB];
	s0 =	simm.s32 @p2 $0x1  }
0x17: {  	s4 =	simm.s32 $0x1BF5;
	[smem:$0x3FBB] =	sst s0  }
0x18: {  	s0 =	sld [smem:$0x3F9E];
	_ =	swait.ge [sflag:s4], $0x0  }
0x19: {  	s7 =	sld [smem:$0x3F9F]  }
0x1a: {  	s8 =	sadd.s32 $0xFFFFE003, lr  }
0x1b: {  	s9 =	sadd.s32 $0xFFFFFEF7, lr;
	s5 =	simm.s32 $0xFFFFFFFF;
	p2 =	slt.u32 s8, $0xFFFFF086  }
0x1c: {  	p1 =	slt.u32 s9, $0xF7A;
	s5 =	simm.s32 @!p2 $0x0  }
0x1d: {  	s5 =	simm.s32 @p1 $0x1;
	p0 =	seq.s32 s7, s2  }
0x1e: {  	s7 =	smul.u32 @!p0 $0xF7A, s2;
	p2 =	seq.s32 @!p0 s5, $0x0  }
0x1f: {  	s9 =	smul.u32 $0xF7A, s1;
	s8 =	simm.s32 @!p0 $0x1BF5;
	p2 =	por !p2, p0  }
0x20: {  	[sflag:s8] =	ssyncset.s32 @!p0 $0xFFFFF086;
	s6 =	sadd.s32 @!p0 s3, s7;
	s7 =	simm.s32 @!p0 $0x108  }
0x21: {  	s3 =	sadd.s32 s3, s9;
	s6 =	sadd.s32 @!p0 $0x88, s6;
	s7 =	simm.s32 @p2 $0x1082  }
0x22: {  	[simem:s7], [sflag:s8] =	dma.local @!p0 [hbm:s6], $0xF7A  }
0x23: {  	s9 =	sor.u32 $0xD0000000, s2;
	s6 =	simm.s32 $0x108;
	_ =	swait.ge @!p0 [sflag:s8], $0x0  }
0x24: {  	s3 =	sadd.s32 $0x88, s3;
	s6 =	simm.s32 @!p1 $0x1082;
	[sflag:s4] =	ssyncset.s32 $0xFFFFF086  }
0x25: {  	[simem:s6], [sflag:s4] =	dma.local [hbm:s3], $0xF7A  }
0x26: {  	[smem:$0x3F9F] =	sst s1;
	(tag) =	ssettag s2;
	_ =	strace s9  }
0x27: {  	s1 =	sld [smem:$0x3FAF]  }
0x28: {  	s2 =	sld [smem:$0x3FB0]  }
0x29: {  	s4 =	sld [smem:$0x3FB2]  }
0x2a: {  	p0 =	seq.s32 s5, $0x0;
	s5 =	sld [smem:$0x3FB3]  }
0x2b: {  	s6 =	sld [smem:$0x3FB4]  }
0x2c: {  	s7 =	sld [smem:$0x3FB5]  }
0x2d: {  	s3 =	simm.s32 $0x108;
	s8 =	sld [smem:$0x3FB6]  }
0x2e: {  	s3 =	simm.s32 @!p0 $0x1082;
	s9 =	sld [smem:$0x3FB7]  }
0x2f: {  	lr =	sadd.s32 s0, s3;
	s0 =	sld [smem:$0x3FAE]  }
0x30: {  	s3 =	sld [smem:$0x3FB1]  }
0x31: {  	[smem:$0x3FBA] =	sst s10  }
0x32: {  	s10 =	sld [smem:$0x3FB8];
	_ =	sdelay $0x3  }
0x33: {  	p0 =	seq.s32 s10, $0x1;
	s10 =	sld [smem:$0x3FBA];
	_ =	sdelay $0x3  }
0x34: {  	[smem:$0x3FBA] =	sst s10  }
0x35: {  	s10 =	sld [smem:$0x3FB9];
	_ =	sdelay $0x3  }
0x36: {  	p1 =	seq.s32 s10, $0x1;
	s10 =	sld [smem:$0x3FBA];
	_ =	sdelay $0x3  }
0x37: {  	[smem:$0x3FBA] =	sst s10  }
0x38: {  	s10 =	sld [smem:$0x3FBB]  }
0x39: {  	_ = 	snop;
	(pc) =	sbr.ind lr, $3  }
0x3a: {  	_ = 	snop  }
0x3b: {  	_ = 	snop  }
0x3c: {  	p2 =	seq.s32 s10, $0x1;
	s10 =	sld [smem:$0x3FBA]  }
0x3d: {  	_ =	shalt  }
0x3e: {  	_ =	shalt  }
0x3f: {  	_ =	shalt  }
0x40: {  	_ =	shalt  }
0x41: {  	_ =	shalt  }
0x42: {  	_ =	shalt  }
0x43: {  	_ =	shalt  }
0x44: {  	_ =	shalt  }
0x45: {  	_ =	shalt  }
0x46: {  	_ =	shalt  }
0x47: {  	_ =	shalt  }
0x48: {  	_ =	shalt  }
0x49: {  	_ =	shalt  }
0x4a: {  	_ =	shalt  }
0x4b: {  	_ =	shalt  }
0x4c: {  	_ =	shalt  }
0x4d: {  	_ =	shalt  }
0x4e: {  	_ =	shalt  }
0x4f: {  	_ =	shalt  }
0x50: {  	_ =	shalt  }
0x51: {  	_ =	shalt  }
0x52: {  	_ =	shalt  }
0x53: {  	_ =	shalt  }
0x54: {  	_ =	shalt  }
0x55: {  	_ =	shalt  }
0x56: {  	_ =	shalt  }
0x57: {  	_ =	shalt  }
0x58: {  	_ =	shalt  }
0x59: {  	_ =	shalt  }
0x5a: {  	_ =	shalt  }
0x5b: {  	_ =	shalt  }
0x5c: {  	_ =	shalt  }
0x5d: {  	_ =	shalt  }
0x5e: {  	_ =	shalt  }
0x5f: {  	_ =	shalt  }
0x60: {  	_ =	shalt  }
0x61: {  	_ =	shalt  }
0x62: {  	_ =	shalt  }
0x63: {  	_ =	shalt  }
0x64: {  	_ =	shalt  }
0x65: {  	_ =	shalt  }
0x66: {  	_ =	shalt  }
0x67: {  	_ =	shalt  }
0x68: {  	_ =	shalt  }
0x69: {  	_ =	shalt  }
0x6a: {  	_ =	shalt  }
0x6b: {  	_ =	shalt  }
0x6c: {  	_ =	shalt  }
0x6d: {  	_ =	shalt  }
0x6e: {  	_ =	shalt  }
0x6f: {  	_ =	shalt  }
0x70: {  	_ =	shalt  }
0x71: {  	_ =	shalt  }
0x72: {  	_ =	shalt  }
0x73: {  	_ =	shalt  }
0x74: {  	_ =	shalt  }
0x75: {  	_ =	shalt  }
0x76: {  	_ =	shalt  }
0x77: {  	_ =	shalt  }
0x78: {  	_ =	shalt  }
0x79: {  	_ =	shalt  }
0x7a: {  	_ =	shalt  }
0x7b: {  	_ =	shalt  }
0x7c: {  	_ =	shalt  }
0x7d: {  	_ =	shalt  }
0x7e: {  	_ =	shalt  }
0x7f: {  	_ =	shalt  }
0x80: {  	_ =	shalt  }
0x81: {  	_ =	shalt  }
0x82: {  	_ =	shalt  }
0x83: {  	_ =	shalt  }
0x84: {  	_ =	shalt  }
0x85: {  	_ =	shalt  }
0x86: {  	_ =	shalt  }
0x87: {  	_ =	shalt  }
.Lfunc_end0:
.L_simem_size_0:
called_computation_lowered:
.L_overlay_start_0:
0x88: {  	s2 =	sld [smem:$0x3FD9]  }
0x89: {  	s3 =	sld [smem:$0x3FFE];
	_ =	sdelay $0x1  }
0x8a: {  	s1 =	srdreg.scid  }
0x8b: {  	s0 =	sand.u32 $0x1, s1  }
0x8c: {  	s17 =	sshll.u32 s0, $0xA;
	s2 =	sadd.s32 s3, s2  }
0x8d: {  	s2 =	sadd.s32 s2, s17  }
0x8e: {  	[smem:$0x3FC6] =	sst s2  }
0x8f: {  	_ = 	snop  }
0x90: {  	s2 =	sld [smem:$0x3FD0];
	(tm) =	ssettm $0x1  }
0x91: {  	s18 =	sld [smem:$0x3FFB];
	_ =	sdelay $0x3  }
0x92: {  	_ =	strace s18  }
0x93: {  	s3 =	sld [smem:$0x3FFC];
	_ =	sdelay $0x3  }
0x94: {  	_ =	strace s3  }
0x95: {  	s3 =	sld [smem:$0x3FFD];
	_ =	sdelay $0x3  }
0x96: {  	_ =	strace s3  }
0x97: {  	_ =	strace $0x8FFFFFFF  }
0x98: {  	s19 =	sld [smem:$0x3FDB];
	_ =	sdelay $0x1  }
0x99: {  	s4 =	simm.s32 $_scs_section_size  }
0x9a: {  	s5 =	simm.s32 $_size__tile_overlayer_lowered;
	s6 =	simm.s32 $_tile_overlayer_lowered  }
0x9b: {  	s22 =	simm.s32 $0x1BFF;
	s21 =	sshll.u32 s6, $0x1;
	s3 =	sadd.s32 s4, s19  }
0x9c: {  	s7 =	simm.s32 $0x0;
	s20 =	sshll.u32 s5, $0x1;
	s5 =	sadd.s32 s21, s3  }
0x9d: {  	[timem:s7], [sflag:s22] =	dma.local [hbm:s5], s20  }
0x9e: {  	_ =	swait.ge [sflag:s22], s20  }
0x9f: {  	s4 =	ssub.s32 $0x0, s20;
	[sflag:s22] =	ssyncset.done $0x0  }
0xa0: {  	[sflag:s22] =	ssyncadd.s32 s4;
	_ =	sdelay $0x1  }
0xa1: {  	s23 =	simm.s32 $0x1B8B  }
0xa2: {  	_ =	swait.ge [sflag:s23], $0x1  }
0xa3: {  	[sflag:s23] =	ssyncset.done $0x0  }
0xa4: {  	s25 =	simm.s32 $0x1B8E;
	s24 =	sld [smem:$0x3FFE];
	[sflag:s23] =	ssyncadd.s32 $0xFFFFFFFF  }
0xa5: {  	s26 =	simm.s32 $execute0_lowered;
	[smem:$0x3FD2] =	sst s25  }
0xa6: {  	s5 =	sshll.u32 s26, $0x1;
	_ =	strace $0x80000046;
	[dreg:$0x1] =	wrdreg $0xFFFFFFFF  }
0xa7: {  	s28 =	simm.s32 $_size_execute0_lowered;
	s3 =	sadd.s32 s3, s5;
	[dreg:$0x0] =	wrdreg $0x0  }
0xa8: {  	s5 =	sshll.u32 s28, $0x1;
	[dreg:$0x2] =	wrdreg s3  }
0xa9: {  	[dreg:$0x3] =	wrdreg s5  }
0xaa: {  	[dreg:$0x4] =	wrdreg $0xC0  }
0xab: {  	_ =	task [dreg:s7], $0x5FFFF  }
0xac: {  	[dreg:$0x1] =	wrdreg $0xFFFFFFFF  }
0xad: {  	[dreg:$0x0] =	wrdreg $0x60  }
0xae: {  	[dreg:$0x2] =	wrdreg s24  }
0xaf: {  	[dreg:$0x3] =	wrdreg s2  }
0xb0: {  	[dreg:$0x4] =	wrdreg $0x9  }
0xb1: {  	_ =	task.clear_ibuf [dreg:s7], $0x5FFFF;
	_ =	strace $0x90000046  }
0xb2: {  	s29 =	simm.s32 $0x9;
	_ =	strace $0x80000048  }
0xb3: {  	_ =	swait.ge [sflag:s29], $0x1  }
0xb4: {  	[sflag:s29] =	ssyncadd.s32 $0xFFFFFFFF  }
0xb5: {  	_ =	strace $0x90000048  }
0xb6: {  	_ =	sfence  }
0xb7: {  	s30 =	sld [smem:$0x0];
	_ =	sdelay $0x2  }
0xb8: {  	s31 =	sshll.u32 s1, $0xD;
	s1 =	sshrl.u32 s1, $0x2  }
0xb9: {  	s3 =	sand.u32 $0x4000, s31;
	s1 =	sadd.s32 s1, s30  }
0xba: {  	s0 =	sor.u32 s3, s0;
	s1 =	sshll.u32 s1, $0x11  }
0xbb: {  	s0 =	sor.u32 s1, s0  }
0xbc: {  	s0 =	sadd.s32 $0x8F2B, s0  }
0xbd: {  	[sflag:s0] =	ssyncadd.remote.s32 $0x1  }
0xbe: {  	_ =	sfence.sel $0xFFFF  }
0xbf: {  	[dreg:$0x0] =	wrdreg $0xFFFFFFFF;
	(pc) =	sbr.abs _section_cstart, $3  }
0xc0: {  	[dreg:$0x1] =	wrdreg $0xFFFFFFFF  }
0xc1: {  	_ =	task.clear_ibuf [dreg:s7], $0x2FFFF;
	_ =	strace $0x9FFFFFFF  }
0xc2: {  	(tm) =	ssettm $0x7FFFFFFF  }
0xc3: {  	_ =	shalt  }
tec
execute0_lowered:
.L_overlay_start_1:
0x0: {  	(tag) =	ssettag $0x1  }
0x1: {  	s3 =	rddreg [dreg:$0x0]  }
0x2: {  	s1 =	rddreg [dreg:$0x1]  }
0x3: {  	s0 =	rddreg [dreg:$0x2];
	s2 =	simm.s32 $0x0  }
0x4: {  	s4 =	srdreg.scid;
	s9 =	simm.s32 $0x1;
	s10 =	simm.s32 $0x8000  }
0x5: {  	s11 =	simm.s32 $0x0;
	[smem:$0x7FF] =	sst s2;
	s6 =	sand.u32 $0x1, s4  }
0x6: {  	s4 =	sadd.s32 $0x600, s3;
	s5 =	sadd.s32 $0x40600, s3;
	s7 =	ssub.s32 $0x2, s6  }
0x7: {  	s3 =	stileid.u32;
	_ =	strace $0x80000047;
	s8 =	sshrl.u32 s7, $0x1  }
0x8: {  	s31 =	sshll.u32 s3, $0xE;
	s6 =	sshll.u32 s6, $0xD;
	s7 =	ssub.s32 s7, s8  }
0x9: {  	s6 =	sor.u32 s6, s31;
	s8 =	simm.s32 $0x10000;
	s7 =	smax.u32 s7, $0x1  }
.LBB2_1:
0xa: {  	[tilespmem:s8], [sflag:$0x1] =	stream.linear.gather [hbm4b:s1+s2], $0x80, $0x38;
	[tilespmem:$0x10080] =	vst v63  }
0xb: {  	_ =	swait.ge [sflag:s9], $0x80  }
0xc: {  	[sflag:s9] =	ssyncset.done $0x0  }
0xd: {  	[sflag:s9] =	ssyncadd.s32 $0xFFFFFF80  }
0xe: {  	v0 =	vld [tilespmem:$0x10000];
	_ =	sdelay $0x4  }
0xf: {  	v0 =	vadd.f32 v0, v0;
	_ =	sdelay $0x1  }
0x10: {  	v0 =	vmul.f32 $1.442695020e+00, v0;
	_ =	sdelay $0x1  }
0x11: {  	(erf) = vpow2.f32 v0;
	_ =	sdelay $0x8  }
0x12: {  	v0 =	vpop (erf)  }
0x13: {  	v0 =	vadd.f32 $1.000000000e+00, v0;
	_ =	sdelay $0x1  }
0x14: {  	(erf) = vrcp.f32 v0;
	_ =	sdelay $0x8  }
0x15: {  	v0 =	vpop (erf)  }
0x16: {  	v0 =	vadd.f32 v0, v0;
	_ =	sdelay $0x1  }
0x17: {  	v0 =	vsub.f32 $1.000000000e+00, v0  }
0x18: {  	p1 =	por $0x1, $0x1;
	s12 =	simm.s32 $0x0  }
.LBB2_2:
0x19: {  	s12 =	sor.u32 s6, s12  }
0x1a: {  	s13 =	sadd.s32 s4, s12  }
0x1b: {  	[tilespmem:s2], [sflag:$0x1] =	stream.linear.gather [hbm4b:s13+s2], $0x8000, $0x38;
	[tilespmem:$0x10080] =	vst v63  }
0x1c: {  	_ =	swait.ge [sflag:s9], $0x8000  }
0x1d: {  	[sflag:s9] =	ssyncset.done $0x0  }
0x1e: {  	s16 =	simm.s32 $0x100;
	[sflag:s9] =	ssyncadd.s32 $0xFFFF8000  }
0x1f: {  	v1 =	vld [tilespmem:s16+$0x80]  }
0x20: {  	v2 =	vld [tilespmem:s16+$0xFFFFFF80]  }
0x21: {  	v3 =	vld [tilespmem:s16+$0x0]  }
0x22: {  	v4 =	vld [tilespmem:s16+$0xFFFFFF00];
	_ =	sdelay $0x1  }
0x23: {  	v1 =	vperm.xlane v0, v1  }
0x24: {  	s13 =	simm.s32 $0x8100;
	v2 =	vperm.xlane v0, v2  }
0x25: {  	v3 =	vperm.xlane v0, v3;
	[tilespmem:s13+$0x80] =	vst v1  }
0x26: {  	v1 =	vperm.xlane v0, v4;
	[tilespmem:s13+$0xFFFFFF80] =	vst v2;
	v2 =	vld [tilespmem:s16+$0x90]  }
0x27: {  	[tilespmem:s13+$0x0] =	vst v3;
	v4 =	vld [tilespmem:s16+$0xFFFFFF90]  }
0x28: {  	[tilespmem:s13+$0xFFFFFF00] =	vst v1;
	v1 =	vld [tilespmem:s16+$0x10]  }
0x29: {  	v3 =	vld [tilespmem:s16+$0xFFFFFF10];
	_ =	sdelay $0x1  }
0x2a: {  	v2 =	vperm.xlane v0, v2  }
0x2b: {  	v4 =	vperm.xlane v0, v4  }
0x2c: {  	v1 =	vperm.xlane v0, v1;
	[tilespmem:s13+$0x90] =	vst v2  }
0x2d: {  	v2 =	vperm.xlane v0, v3;
	[tilespmem:s13+$0xFFFFFF90] =	vst v4;
	v3 =	vld [tilespmem:s16+$0xA0]  }
0x2e: {  	v4 =	vld [tilespmem:s16+$0xFFFFFFA0];
	[tilespmem:s13+$0x10] =	vst v1  }
0x2f: {  	[tilespmem:s13+$0xFFFFFF10] =	vst v2;
	v1 =	vld [tilespmem:s16+$0x20]  }
0x30: {  	v2 =	vld [tilespmem:s16+$0xFFFFFF20];
	_ =	sdelay $0x1  }
0x31: {  	v3 =	vperm.xlane v0, v3  }
0x32: {  	v4 =	vperm.xlane v0, v4  }
0x33: {  	v1 =	vperm.xlane v0, v1;
	[tilespmem:s13+$0xA0] =	vst v3  }
0x34: {  	v2 =	vperm.xlane v0, v2;
	[tilespmem:s13+$0xFFFFFFA0] =	vst v4;
	v3 =	vld [tilespmem:s16+$0xB0]  }
0x35: {  	v4 =	vld [tilespmem:s16+$0xFFFFFFB0];
	[tilespmem:s13+$0x20] =	vst v1  }
0x36: {  	[tilespmem:s13+$0xFFFFFF20] =	vst v2;
	v1 =	vld [tilespmem:s16+$0x30]  }
0x37: {  	s14 =	simm.s32 $0x300;
	v2 =	vld [tilespmem:s16+$0xFFFFFF30]  }
0x38: {  	v5 =	vld [tilespmem:s14+$0x80]  }
0x39: {  	v6 =	vld [tilespmem:s14+$0xFFFFFF80];
	v3 =	vperm.xlane v0, v3  }
0x3a: {  	v7 =	vld [tilespmem:s14+$0x0];
	v4 =	vperm.xlane v0, v4  }
0x3b: {  	v8 =	vld [tilespmem:s14+$0xFFFFFF00];
	v1 =	vperm.xlane v0, v1;
	[tilespmem:s13+$0xB0] =	vst v3  }
0x3c: {  	v2 =	vperm.xlane v0, v2;
	[tilespmem:s13+$0xFFFFFFB0] =	vst v4;
	v3 =	vld [tilespmem:s16+$0xC0]  }
0x3d: {  	v4 =	vperm.xlane v0, v5;
	v5 =	vld [tilespmem:s16+$0xFFFFFFC0];
	[tilespmem:s13+$0x30] =	vst v1  }
0x3e: {  	s15 =	simm.s32 $0x8300;
	v1 =	vperm.xlane v0, v6;
	[tilespmem:s13+$0xFFFFFF30] =	vst v2;
	v2 =	vld [tilespmem:s16+$0x40]  }
0x3f: {  	v6 =	vperm.xlane v0, v7;
	[tilespmem:s15+$0x80] =	vst v4;
	v4 =	vld [tilespmem:s16+$0xFFFFFF40]  }
0x40: {  	v7 =	vperm.xlane v0, v8;
	[tilespmem:s15+$0xFFFFFF80] =	vst v1;
	v1 =	vld [tilespmem:s14+$0x90]  }
0x41: {  	[tilespmem:s15+$0x0] =	vst v6;
	v8 =	vld [tilespmem:s14+$0xFFFFFF90];
	v3 =	vperm.xlane v0, v3  }
0x42: {  	[tilespmem:s15+$0xFFFFFF00] =	vst v7;
	v6 =	vld [tilespmem:s14+$0x10];
	v5 =	vperm.xlane v0, v5  }
0x43: {  	v7 =	vld [tilespmem:s14+$0xFFFFFF10];
	v2 =	vperm.xlane v0, v2;
	[tilespmem:s13+$0xC0] =	vst v3  }
0x44: {  	v3 =	vperm.xlane v0, v4;
	[tilespmem:s13+$0xFFFFFFC0] =	vst v5;
	v4 =	vld [tilespmem:s16+$0xD0]  }
0x45: {  	v1 =	vperm.xlane v0, v1;
	v5 =	vld [tilespmem:s16+$0xFFFFFFD0];
	[tilespmem:s13+$0x40] =	vst v2  }
0x46: {  	v2 =	vperm.xlane v0, v8;
	[tilespmem:s13+$0xFFFFFF40] =	vst v3;
	v3 =	vld [tilespmem:s16+$0x50]  }
0x47: {  	v6 =	vperm.xlane v0, v6;
	[tilespmem:s15+$0x90] =	vst v1;
	v1 =	vld [tilespmem:s16+$0xFFFFFF50]  }
0x48: {  	v7 =	vperm.xlane v0, v7;
	[tilespmem:s15+$0xFFFFFF90] =	vst v2;
	v2 =	vld [tilespmem:s14+$0xA0]  }
0x49: {  	[tilespmem:s15+$0x10] =	vst v6;
	v8 =	vld [tilespmem:s14+$0xFFFFFFA0];
	v4 =	vperm.xlane v0, v4  }
0x4a: {  	[tilespmem:s15+$0xFFFFFF10] =	vst v7;
	v6 =	vld [tilespmem:s14+$0x20];
	v5 =	vperm.xlane v0, v5  }
0x4b: {  	v7 =	vld [tilespmem:s14+$0xFFFFFF20];
	v3 =	vperm.xlane v0, v3;
	[tilespmem:s13+$0xD0] =	vst v4  }
0x4c: {  	v1 =	vperm.xlane v0, v1;
	[tilespmem:s13+$0xFFFFFFD0] =	vst v5;
	v9 =	vld [tilespmem:s16+$0xD4]  }
0x4d: {  	v2 =	vperm.xlane v0, v2;
	v10 =	vld [tilespmem:s16+$0xFFFFFFD4];
	[tilespmem:s13+$0x50] =	vst v3  }
0x4e: {  	v3 =	vperm.xlane v0, v8;
	[tilespmem:s13+$0xFFFFFF50] =	vst v1;
	v8 =	vld [tilespmem:s16+$0x54]  }
0x4f: {  	v6 =	vperm.xlane v0, v6;
	[tilespmem:s15+$0xA0] =	vst v2;
	v1 =	vld [tilespmem:s16+$0xFFFFFF54]  }
0x50: {  	v2 =	vperm.xlane v0, v7;
	[tilespmem:s15+$0xFFFFFFA0] =	vst v3;
	v5 =	vld [tilespmem:s14+$0xB0]  }
0x51: {  	[tilespmem:s15+$0x20] =	vst v6;
	v4 =	vld [tilespmem:s14+$0xFFFFFFB0];
	v9 =	vperm.xlane v0, v9  }
0x52: {  	[tilespmem:s15+$0xFFFFFF20] =	vst v2;
	v6 =	vld [tilespmem:s14+$0x30];
	v2 =	vperm.xlane v0, v10  }
0x53: {  	p0 =	por p1, p1;
	s17 =	simm.s32 $0x500;
	s16 =	simm.s32 $0x4;
	v7 =	vld [tilespmem:s14+$0xFFFFFF30];
	v3 =	vperm.xlane v0, v8;
	[tilespmem:s13+$0xD4] =	vst v9  }
.LBB2_3:
0x54: {  	v8 =	vld [tilespmem:s17+$0x80];
	s16 =	sadd.s32 $0x4, s16;
	v1 =	vperm.xlane v0, v1;
	[tilespmem:s13+$0xFFFFFFD4] =	vst v2  }
0x55: {  	v2 =	vld [tilespmem:s17+$0xFFFFFF80];
	p1 =	slt.u32 s16, $0xFC;
	v5 =	vperm.xlane v0, v5;
	[tilespmem:s13+$0x54] =	vst v3  }
0x56: {  	v3 =	vld [tilespmem:s17+$0x0];
	v4 =	vperm.xlane v0, v4;
	[tilespmem:s13+$0xFFFFFF54] =	vst v1;
	s13 =	smov.u32 s15  }
0x57: {  	v1 =	vld [tilespmem:s17+$0xFFFFFF00];
	v6 =	vperm.xlane v0, v6;
	[tilespmem:s15+$0xB0] =	vst v5  }
0x58: {  	v5 =	vperm.xlane v0, v7;
	[tilespmem:s15+$0xFFFFFFB0] =	vst v4;
	v4 =	vld [tilespmem:s14+$0xC0]  }
0x59: {  	v7 =	vperm.xlane v0, v8;
	v8 =	vld [tilespmem:s14+$0xFFFFFFC0];
	[tilespmem:s15+$0x30] =	vst v6  }
0x5a: {  	s15 =	sadd.s32 $0x200, s15;
	v2 =	vperm.xlane v0, v2;
	[tilespmem:s13+$0xFFFFFF30] =	vst v5;
	v5 =	vld [tilespmem:s14+$0x40]  }
0x5b: {  	v3 =	vperm.xlane v0, v3;
	[tilespmem:s15+$0x80] =	vst v7;
	v6 =	vld [tilespmem:s14+$0xFFFFFF40]  }
0x5c: {  	v1 =	vperm.xlane v0, v1;
	[tilespmem:s15+$0xFFFFFF80] =	vst v2;
	v2 =	vld [tilespmem:s17+$0x90]  }
0x5d: {  	v7 =	vld [tilespmem:s17+$0xFFFFFF90];
	[tilespmem:s15+$0x0] =	vst v3;
	v3 =	vperm.xlane v0, v4  }
0x5e: {  	[tilespmem:s15+$0xFFFFFF00] =	vst v1;
	v1 =	vld [tilespmem:s17+$0x10];
	v4 =	vperm.xlane v0, v8  }
0x5f: {  	v8 =	vld [tilespmem:s17+$0xFFFFFF10];
	v5 =	vperm.xlane v0, v5;
	[tilespmem:s13+$0xC0] =	vst v3  }
0x60: {  	v3 =	vperm.xlane v0, v6;
	[tilespmem:s13+$0xFFFFFFC0] =	vst v4;
	v4 =	vld [tilespmem:s14+$0xD0]  }
0x61: {  	v2 =	vperm.xlane v0, v2;
	v6 =	vld [tilespmem:s14+$0xFFFFFFD0];
	[tilespmem:s13+$0x40] =	vst v5  }
0x62: {  	v5 =	vperm.xlane v0, v7;
	[tilespmem:s13+$0xFFFFFF40] =	vst v3;
	v3 =	vld [tilespmem:s14+$0x50]  }
0x63: {  	v1 =	vperm.xlane v0, v1;
	[tilespmem:s15+$0x90] =	vst v2;
	v2 =	vld [tilespmem:s14+$0xFFFFFF50]  }
0x64: {  	v7 =	vperm.xlane v0, v8;
	[tilespmem:s15+$0xFFFFFF90] =	vst v5;
	v5 =	vld [tilespmem:s17+$0xA0]  }
0x65: {  	v8 =	vld [tilespmem:s17+$0xFFFFFFA0];
	[tilespmem:s15+$0x10] =	vst v1;
	v1 =	vperm.xlane v0, v4  }
0x66: {  	[tilespmem:s15+$0xFFFFFF10] =	vst v7;
	v4 =	vld [tilespmem:s17+$0x20];
	v6 =	vperm.xlane v0, v6  }
0x67: {  	v7 =	vld [tilespmem:s17+$0xFFFFFF20];
	v3 =	vperm.xlane v0, v3;
	[tilespmem:s13+$0xD0] =	vst v1  }
0x68: {  	v1 =	vperm.xlane v0, v2;
	[tilespmem:s13+$0xFFFFFFD0] =	vst v6;
	v2 =	vld [tilespmem:s14+$0xD4]  }
0x69: {  	v5 =	vperm.xlane v0, v5;
	v9 =	vld [tilespmem:s14+$0xFFFFFFD4];
	[tilespmem:s13+$0x50] =	vst v3  }
0x6a: {  	v3 =	vperm.xlane v0, v8;
	[tilespmem:s13+$0xFFFFFF50] =	vst v1;
	v8 =	vld [tilespmem:s14+$0x54]  }
.Ltmp0:
0x6b: {  	v6 =	vperm.xlane v0, v4;
	[tilespmem:s15+$0xA0] =	vst v5;
	v1 =	vld [tilespmem:s14+$0xFFFFFF54];
	s14 =	smov.u32 s17;
	(pc) =	sbr.rel @p1 .LBB2_3-.Ltmp0, $4  }
0x6c: {  	v7 =	vperm.xlane v0, v7;
	[tilespmem:s15+$0xFFFFFFA0] =	vst v3;
	v5 =	vld [tilespmem:s17+$0xB0]  }
0x6d: {  	v4 =	vld [tilespmem:s17+$0xFFFFFFB0];
	[tilespmem:s15+$0x20] =	vst v6;
	v10 =	vperm.xlane v0, v2  }
0x6e: {  	[tilespmem:s15+$0xFFFFFF20] =	vst v7;
	v6 =	vld [tilespmem:s17+$0x30];
	v2 =	vperm.xlane v0, v9  }
0x6f: {  	s17 =	sadd.s32 $0x200, s17;
	v7 =	vld [tilespmem:s14+$0xFFFFFF30];
	v3 =	vperm.xlane v0, v8;
	[tilespmem:s13+$0xD4] =	vst v10  }
0x70: {  	_ = 	snop  }
0x71: {  	v5 =	vperm.xlane v0, v5  }
0x72: {  	v4 =	vperm.xlane v0, v4  }
0x73: {  	v6 =	vperm.xlane v0, v6;
	[tilespmem:s15+$0xB0] =	vst v5  }
0x74: {  	v55 =	vperm.xlane v0, v7;
	[tilespmem:s15+$0xFFFFFFB0] =	vst v4;
	v56 =	vld [tilespmem:s14+$0xC0]  }
0x75: {  	v57 =	vld [tilespmem:s14+$0xFFFFFFC0];
	[tilespmem:s15+$0x30] =	vst v6  }
0x76: {  	[tilespmem:s15+$0xFFFFFF30] =	vst v55;
	v58 =	vld [tilespmem:s14+$0x40]  }
0x77: {  	v59 =	vld [tilespmem:s14+$0xFFFFFF40];
	_ =	sdelay $0x1  }
0x78: {  	v4 =	vperm.xlane v0, v56  }
0x79: {  	v7 =	vperm.xlane v0, v57  }
0x7a: {  	v5 =	vperm.xlane v0, v58;
	[tilespmem:s15+$0xC0] =	vst v4  }
0x7b: {  	v60 =	vperm.xlane v0, v59;
	[tilespmem:s15+$0xFFFFFFC0] =	vst v7;
	v61 =	vld [tilespmem:s14+$0xD0]  }
0x7c: {  	v7 =	vld [tilespmem:s14+$0xFFFFFFD0];
	[tilespmem:s15+$0x40] =	vst v5  }
0x7d: {  	[tilespmem:s15+$0xFFFFFF40] =	vst v60;
	v62 =	vld [tilespmem:s14+$0x50]  }
0x7e: {  	v63 =	vld [tilespmem:s14+$0xFFFFFF50];
	_ =	sdelay $0x1  }
0x7f: {  	v6 =	vperm.xlane v0, v61  }
0x80: {  	v7 =	vperm.xlane v0, v7  }
0x81: {  	v4 =	vperm.xlane v0, v62;
	[tilespmem:s15+$0xD0] =	vst v6  }
0x82: {  	v5 =	vperm.xlane v0, v63;
	[tilespmem:s15+$0xFFFFFFD0] =	vst v7;
	v6 =	vld [tilespmem:s14+$0xD4]  }
0x83: {  	v7 =	vld [tilespmem:s14+$0xFFFFFFD4];
	[tilespmem:s15+$0x50] =	vst v4  }
0x84: {  	[tilespmem:s15+$0xFFFFFF50] =	vst v5;
	v4 =	vld [tilespmem:s14+$0x54]  }
0x85: {  	v5 =	vld [tilespmem:s14+$0xFFFFFF54]  }
0x86: {  	v1 =	vperm.xlane v0, v1;
	[tilespmem:s13+$0xFFFFFFD4] =	vst v2  }
0x87: {  	[tilespmem:s13+$0x54] =	vst v3;
	v2 =	vperm.xlane v0, v6  }
0x88: {  	[tilespmem:s13+$0xFFFFFF54] =	vst v1;
	v1 =	vperm.xlane v0, v7  }
0x89: {  	v3 =	vperm.xlane v0, v4;
	[tilespmem:s15+$0xD4] =	vst v2  }
0x8a: {  	v2 =	vperm.xlane v0, v5;
	[tilespmem:s15+$0xFFFFFFD4] =	vst v1  }
0x8b: {  	[tilespmem:s15+$0x54] =	vst v3  }
.Ltmp1:
0x8c: {  	s12 =	sadd.s32 s5, s12;
	[tilespmem:s15+$0xFFFFFF54] =	vst v2;
	(pc) =	sbr.rel @p0 .LBB2_2-.Ltmp1, $4  }
0x8d: {  	[hbm4b:s12+s2] =	stream.linear.scatter [tilespmem:s10], [sflag:$0x1], $0x8000, $0x38;
	[tilespmem:$0x10080] =	vst v63  }
0x8e: {  	_ =	swait.ge [sflag:s9], $0x8000  }
0x8f: {  	[sflag:s9] =	ssyncset.done $0x0  }
0x90: {  	p1 =	por $0x0, $0x0;
	s12 =	simm.s32 $0x1000;
	[sflag:s9] =	ssyncadd.s32 $0xFFFF8000  }
0x91: {  	s11 =	sadd.s32 $0x1, s11  }
0x92: {  	p0 =	sne.s32 s11, s7  }
.Ltmp2:
0x93: {  	_ = 	snop;
	(pc) =	sbr.rel @p0 .LBB2_1-.Ltmp2, $1  }
0x94: {  	_ =	sdelay $0x3  }
0x95: {  	_ =	sfence.sel $0x180000  }
0x96: {  	[bflag:$0x0] =	sbarrier.arrive $0xFFFF  }
0x97: {  	p0 =	sne.s32 s3, $0x0;
	_ =	strace $0x90000047  }
0x98: {  	s0 =	sadd.s32 @!p0 $0x100000, s0;
	[bflag:$0x2] =	sbarrier.arrive $0xFFFF  }
0x99: {  	[sflag:s0] =	ssyncadd.tile.s32 @!p0 $0x1;
	_ =	shalt  }
.Lfunc_end2:
_tile_overlayer_lowered:
.L_overlay_start_2:
0x9a: {  	(tag) =	ssettag $0x2  }
0x9b: {  	s0 =	rddreg [dreg:$0x0];
	s2 =	stileid.u32  }
0x9c: {  	s1 =	rddreg [dreg:$0x1];
	p0 =	sne.s32 s2, $0x0  }
0x9d: {  	s3 =	rddreg [dreg:$0x2];
	[bflag:$0x3] =	sbarrier.arrive $0xFFFF;
	s2 =	simm.s32 @!p0 $0x1C01  }
0x9e: {  	[timem:s3], [sflag:s2] =	dma.local @!p0 [hbm:s0], s1  }
0x9f: {  	s0 =	simm.s32 @!p0 $0x1  }
0xa0: {  	_ =	swait.ge @!p0 [sflag:s0], s1  }
0xa1: {  	s1 =	ssub.s32 @!p0 $0x0, s1;
	[sflag:s0] =	ssyncset.done @!p0 $0x0  }
0xa2: {  	[sflag:s0] =	ssyncadd.s32 @!p0 s1  }
0xa3: {  	[bflag:$0x3] =	sbarrier.arrive $0xFFFF  }
0xa4: {  	_ =	shalt  }

</sc_bundles>
